<compile_context>
chip_gen: v7x
topology: tpu7x:2x2x1
jax: 0.10.2.dev20260603
libtpu: 0.0.44.dev20260713+nightly
codegen_flags: <defaults>
</compile_context>

<pallas_src>
import functools

import jax
import jax.numpy as jnp
from jax import lax
from jax.experimental import pallas as pl
from jax.experimental.pallas import tpu as pltpu
from jax.experimental.pallas import tpu_sc as plsc

_NUM_CORES = 2
_NUM_SUBCORES = 16
_LANES = 16
_NW = _NUM_CORES * _NUM_SUBCORES


def _mlp_body(x_ref, w1_ref, b1_ref, w2_ref, b2_ref, o_ref):
    x = x_ref[...]
    h = jnp.dot(x, w1_ref[...], preferred_element_type=jnp.float32) + b1_ref[...]
    h = h * jax.nn.sigmoid(h)
    o_ref[...] = jnp.dot(h, w2_ref[...], preferred_element_type=jnp.float32) + b2_ref[...]


def _mlp(x, W1, b1, W2, b2, blk):
    R, D = x.shape
    grid = (R // blk,)
    return pl.pallas_call(
        _mlp_body,
        grid=grid,
        in_specs=[
            pl.BlockSpec((blk, D), lambda i: (i, 0)),
            pl.BlockSpec((D, D), lambda i: (0, 0)),
            pl.BlockSpec((1, D), lambda i: (0, 0)),
            pl.BlockSpec((D, D), lambda i: (0, 0)),
            pl.BlockSpec((1, D), lambda i: (0, 0)),
        ],
        out_specs=pl.BlockSpec((blk, D), lambda i: (i, 0)),
        out_shape=jax.ShapeDtypeStruct((R, D), jnp.float32),
    )(x, W1, b1, W2, b2)


def _make_gather(BM, D, B, M, N, chunk):
    qpw = BM // _NW
    nchunks = qpw // chunk
    mesh = plsc.VectorSubcoreMesh(core_axis_name="c", subcore_axis_name="s")

    @functools.partial(
        pl.kernel,
        mesh=mesh,
        out_type=jax.ShapeDtypeStruct((BM, D), jnp.float32),
        scratch_types=[
            pltpu.VMEM((qpw,), jnp.float32),
            pltpu.VMEM((qpw,), jnp.float32),
            pltpu.VMEM((qpw,), jnp.float32),
            pltpu.VMEM((_LANES,), jnp.float32),
            pltpu.VMEM((nchunks, chunk), jnp.int32),
            pltpu.VMEM((chunk, D), jnp.float32),
            pltpu.SemaphoreType.DMA,
        ],
    )
    def gather(px_hbm, py_hbm, pz_hbm, gs_hbm, table_hbm, out_hbm,
               px_v, py_v, pz_v, gs_v, idx_v, rows_v, sem):
        wid = lax.axis_index("s") * _NUM_CORES + lax.axis_index("c")
        base = wid * qpw
        boff = (base // M) * N

        pltpu.sync_copy(px_hbm.at[pl.ds(base, qpw)], px_v)
        pltpu.sync_copy(py_hbm.at[pl.ds(base, qpw)], py_v)
        pltpu.sync_copy(pz_hbm.at[pl.ds(base, qpw)], pz_v)
        pltpu.sync_copy(gs_hbm, gs_v)

        gsf = gs_v[...]
        gsi = gsf.astype(jnp.int32)

        def compute_group(g, carry):
            off = g * _LANES
            xi = ((px_v[pl.ds(off, _LANES)] + 0.5) * gsf).astype(jnp.int32)
            yi = ((py_v[pl.ds(off, _LANES)] + 0.5) * gsf).astype(jnp.int32)
            zi = ((pz_v[pl.ds(off, _LANES)] + 0.5) * gsf).astype(jnp.int32)
            flat = (xi * gsi + yi) * gsi + zi
            flat = jnp.clip(flat, 0, N - 1) + boff
            idx_v[g // (chunk // _LANES),
                  pl.ds((g % (chunk // _LANES)) * _LANES, _LANES)] = flat
            return carry

        lax.fori_loop(0, qpw // _LANES, compute_group, 0)

        def do_chunk(i, carry):
            pltpu.async_copy(table_hbm.at[idx_v.at[i]], rows_v, sem).wait()
            pltpu.sync_copy(rows_v, out_hbm.at[pl.ds(base + i * chunk, chunk)])
            return carry

        lax.fori_loop(0, nchunks, do_chunk, 0)

    return gather


def kernel(features, positions, W1, b1, W2, b2, grid_size):
    B, N, D = features.shape
    M = positions.shape[1]
    BM = B * M

    table = _mlp(features.reshape(B * N, D), W1, b1.reshape(1, D),
                 W2, b2.reshape(1, D), blk=512)

    pos_flat = positions.reshape(BM, 3)
    px = pos_flat[:, 0].reshape(BM)
    py = pos_flat[:, 1].reshape(BM)
    pz = pos_flat[:, 2].reshape(BM)
    gs = jnp.full((_LANES,), grid_size, jnp.float32)

    out = _make_gather(BM, D, B, M, N, chunk=128)(px, py, pz, gs, table)
    return out.reshape(B, M, D)

# --- scband reference (transcript-rebuilt; emitter-appended) ---
"""Pipeline reference for scband-feature-extractor-41051297415521 (READ-ONLY COPY).

The authoritative reference and input builder live on the scoring server;
editing this copy changes nothing except your own understanding.
"""

import jax, jax.numpy as jnp
import numpy as np


def setup_inputs(seed: int = 0) -> dict:
    key = jax.random.key(seed)
    k1, k2, k3, k4, k5, k6 = jax.random.split(key, 6)
    B, N, D, M = 4, 4096, 512, 16384
    features = jax.random.normal(k1, (B, N, D), dtype=jnp.float32)
    # query positions in normalized coordinates [-0.5, 0.5]
    positions = jax.random.uniform(k2, (B, M, 3), dtype=jnp.float32, minval=-0.5, maxval=0.5)
    s = 1.0 / np.sqrt(D)
    W1 = jax.random.uniform(k3, (D, D), dtype=jnp.float32, minval=-s, maxval=s)
    b1 = jax.random.uniform(k4, (D,), dtype=jnp.float32, minval=-s, maxval=s)
    W2 = jax.random.uniform(k5, (D, D), dtype=jnp.float32, minval=-s, maxval=s)
    b2 = jax.random.uniform(k6, (D,), dtype=jnp.float32, minval=-s, maxval=s)
    return {"features": features, "positions": positions, "W1": W1, "b1": b1, "W2": W2, "b2": b2, "grid_size": 16}


def reference(features, positions, W1, b1, W2, b2, grid_size):
    B, N, D = features.shape
    pos = (positions + 0.5) * grid_size
    pos = pos.astype(jnp.int32)  # trunc toward zero, matches torch .long() for non-negative values
    flat = pos[:, :, 0] * grid_size * grid_size + pos[:, :, 1] * grid_size + pos[:, :, 2]
    flat = jnp.clip(flat, 0, N - 1)
    # per-batch gather of voxel features at flattened indices
    extracted = jnp.take_along_axis(features, flat[:, :, None], axis=1)  # [B, M, D]
    h = extracted @ W1 + b1
    h = jax.nn.silu(h)
    out = h @ W2 + b2
    return out

if __name__ == "__main__":
    import jax
    _d = setup_inputs()
    print(jax.jit(kernel)(*tuple(_d.values())))

</pallas_src>

<mosaic_0001>
#map = affine_map<(d0, d1) -> (0)>
#map1 = affine_map<(d0, d1) -> (0, 0)>
module attributes {stable_mosaic.version = 14 : i64} {
  func.func @gather(%arg0: i32, %arg1: i32, %arg2: memref<65536xf32, #tpu.memory_space<hbm>>, %arg3: memref<65536xf32, #tpu.memory_space<hbm>>, %arg4: memref<65536xf32, #tpu.memory_space<hbm>>, %arg5: memref<16xf32, #tpu.memory_space<hbm>>, %arg6: memref<16384x512xf32, #tpu.memory_space<hbm>>, %arg7: memref<65536x512xf32, #tpu.memory_space<hbm>>, %arg8: memref<2048xf32, #tpu.memory_space<vmem>>, %arg9: memref<2048xf32, #tpu.memory_space<vmem>>, %arg10: memref<2048xf32, #tpu.memory_space<vmem>>, %arg11: memref<16xf32, #tpu.memory_space<vmem>>, %arg12: memref<16x128xi32, #tpu.memory_space<vmem>>, %arg13: memref<128x512xf32, #tpu.memory_space<vmem>>, %arg14: memref<!tpu.dma_semaphore, #tpu.memory_space<semaphore_mem>>) attributes {dimension_semantics = [#tpu.dimension_semantics<core_parallel>, #tpu.dimension_semantics<subcore_parallel>], iteration_bounds = array<i64: 2, 16>, scalar_prefetch = 0 : i64, scratch_operands = 7 : i64, tpu.core_type = #tpu.core_type<sc_vector_subcore>, window_params = [{transform_indices = #map}, {transform_indices = #map}, {transform_indices = #map}, {transform_indices = #map}, {transform_indices = #map1}, {transform_indices = #map1}]} {
    %mul3A = arith.constant 2 : i32
    %mul3A_0 = arith.muli %arg1, %mul3A : i32
    %add3A = arith.addi %mul3A_0, %arg0 : i32
    %mul3A_1 = arith.constant 2048 : i32
    %mul3A_2 = arith.muli %add3A, %mul3A_1 : i32
    %jit3A = arith.constant 16384 : i32
    %div3A = arith.divsi %mul3A_2, %jit3A : i32
    %sign3A = arith.constant 0 : i32
    %sign3A_3 = arith.cmpi sgt, %mul3A_2, %sign3A : i32
    %sign3A_4 = arith.extui %sign3A_3 : i1 to i32
    %sign3A_5 = arith.constant 0 : i32
    %sign3A_6 = arith.cmpi slt, %mul3A_2, %sign3A_5 : i32
    %sign3A_7 = arith.extui %sign3A_6 : i1 to i32
    %sign3A_8 = arith.subi %sign3A_4, %sign3A_7 : i32
    %sign3A_9 = arith.constant 0 : i32
    %sign3A_10 = arith.cmpi sgt, %jit3A, %sign3A_9 : i32
    %sign3A_11 = arith.extui %sign3A_10 : i1 to i32
    %sign3A_12 = arith.constant 0 : i32
    %sign3A_13 = arith.cmpi slt, %jit3A, %sign3A_12 : i32
    %sign3A_14 = arith.extui %sign3A_13 : i1 to i32
    %sign3A_15 = arith.subi %sign3A_11, %sign3A_14 : i32
    %ne3A = arith.cmpi ne, %sign3A_8, %sign3A_15 : i32
    %rem3A = arith.remsi %mul3A_2, %jit3A : i32
    %ne3A_16 = arith.constant 0 : i32
    %ne3A_17 = arith.cmpi ne, %rem3A, %ne3A_16 : i32
    %and3A = arith.andi %ne3A, %ne3A_17 : i1
    %sub3A = arith.constant 1 : i32
    %sub3A_18 = arith.subi %div3A, %sub3A : i32
    %select_n3A = arith.select %and3A, %sub3A_18, %div3A : i32
    %mul3A_19 = arith.constant 4096 : i32
    %mul3A_20 = arith.muli %select_n3A, %mul3A_19 : i32
    "tpu.region"() ({
      %run_scoped3A = tpu.sem_alloc : memref<!tpu.dma_semaphore, #tpu.memory_space<semaphore_mem>>
      %dma_start3A = tpu.memref_slice %arg2[%mul3A_2] : memref<65536xf32, #tpu.memory_space<hbm>> -> memref<2048xf32, #tpu.memory_space<hbm>>
      %dma_start3A_34 = tpu.memref_slice %arg2[%mul3A_2] : memref<65536xf32, #tpu.memory_space<hbm>> -> memref<2048xf32, #tpu.memory_space<hbm>>
      tpu.enqueue_dma source(%dma_start3A_34 : memref<2048xf32, #tpu.memory_space<hbm>>) target(%arg8 : memref<2048xf32, #tpu.memory_space<vmem>>) target_semaphore(%run_scoped3A : memref<!tpu.dma_semaphore, #tpu.memory_space<semaphore_mem>>)
      %dma_wait3A = tpu.memref_slice %arg2[%mul3A_2] : memref<65536xf32, #tpu.memory_space<hbm>> -> memref<2048xf32, #tpu.memory_space<hbm>>
      %dma_wait3A_35 = tpu.memref_slice %arg2[%mul3A_2] : memref<65536xf32, #tpu.memory_space<hbm>> -> memref<2048xf32, #tpu.memory_space<hbm>>
      tpu.wait_dma2 semaphore(%run_scoped3A : memref<!tpu.dma_semaphore, #tpu.memory_space<semaphore_mem>>) src(%dma_wait3A_35 : memref<2048xf32, #tpu.memory_space<hbm>>) dst(%arg8 : memref<2048xf32, #tpu.memory_space<vmem>>)
      tpu.yield
    }) : () -> ()
    "tpu.region"() ({
      %run_scoped3A = tpu.sem_alloc : memref<!tpu.dma_semaphore, #tpu.memory_space<semaphore_mem>>
      %dma_start3A = tpu.memref_slice %arg3[%mul3A_2] : memref<65536xf32, #tpu.memory_space<hbm>> -> memref<2048xf32, #tpu.memory_space<hbm>>
      %dma_start3A_34 = tpu.memref_slice %arg3[%mul3A_2] : memref<65536xf32, #tpu.memory_space<hbm>> -> memref<2048xf32, #tpu.memory_space<hbm>>
      tpu.enqueue_dma source(%dma_start3A_34 : memref<2048xf32, #tpu.memory_space<hbm>>) target(%arg9 : memref<2048xf32, #tpu.memory_space<vmem>>) target_semaphore(%run_scoped3A : memref<!tpu.dma_semaphore, #tpu.memory_space<semaphore_mem>>)
      %dma_wait3A = tpu.memref_slice %arg3[%mul3A_2] : memref<65536xf32, #tpu.memory_space<hbm>> -> memref<2048xf32, #tpu.memory_space<hbm>>
      %dma_wait3A_35 = tpu.memref_slice %arg3[%mul3A_2] : memref<65536xf32, #tpu.memory_space<hbm>> -> memref<2048xf32, #tpu.memory_space<hbm>>
      tpu.wait_dma2 semaphore(%run_scoped3A : memref<!tpu.dma_semaphore, #tpu.memory_space<semaphore_mem>>) src(%dma_wait3A_35 : memref<2048xf32, #tpu.memory_space<hbm>>) dst(%arg9 : memref<2048xf32, #tpu.memory_space<vmem>>)
      tpu.yield
    }) : () -> ()
    "tpu.region"() ({
      %run_scoped3A = tpu.sem_alloc : memref<!tpu.dma_semaphore, #tpu.memory_space<semaphore_mem>>
      %dma_start3A = tpu.memref_slice %arg4[%mul3A_2] : memref<65536xf32, #tpu.memory_space<hbm>> -> memref<2048xf32, #tpu.memory_space<hbm>>
      %dma_start3A_34 = tpu.memref_slice %arg4[%mul3A_2] : memref<65536xf32, #tpu.memory_space<hbm>> -> memref<2048xf32, #tpu.memory_space<hbm>>
      tpu.enqueue_dma source(%dma_start3A_34 : memref<2048xf32, #tpu.memory_space<hbm>>) target(%arg10 : memref<2048xf32, #tpu.memory_space<vmem>>) target_semaphore(%run_scoped3A : memref<!tpu.dma_semaphore, #tpu.memory_space<semaphore_mem>>)
      %dma_wait3A = tpu.memref_slice %arg4[%mul3A_2] : memref<65536xf32, #tpu.memory_space<hbm>> -> memref<2048xf32, #tpu.memory_space<hbm>>
      %dma_wait3A_35 = tpu.memref_slice %arg4[%mul3A_2] : memref<65536xf32, #tpu.memory_space<hbm>> -> memref<2048xf32, #tpu.memory_space<hbm>>
      tpu.wait_dma2 semaphore(%run_scoped3A : memref<!tpu.dma_semaphore, #tpu.memory_space<semaphore_mem>>) src(%dma_wait3A_35 : memref<2048xf32, #tpu.memory_space<hbm>>) dst(%arg10 : memref<2048xf32, #tpu.memory_space<vmem>>)
      tpu.yield
    }) : () -> ()
    "tpu.region"() ({
      %run_scoped3A = tpu.sem_alloc : memref<!tpu.dma_semaphore, #tpu.memory_space<semaphore_mem>>
      tpu.enqueue_dma source(%arg5 : memref<16xf32, #tpu.memory_space<hbm>>) target(%arg11 : memref<16xf32, #tpu.memory_space<vmem>>) target_semaphore(%run_scoped3A : memref<!tpu.dma_semaphore, #tpu.memory_space<semaphore_mem>>)
      tpu.wait_dma2 semaphore(%run_scoped3A : memref<!tpu.dma_semaphore, #tpu.memory_space<semaphore_mem>>) src(%arg5 : memref<16xf32, #tpu.memory_space<hbm>>) dst(%arg11 : memref<16xf32, #tpu.memory_space<vmem>>)
      tpu.yield
    }) : () -> ()
    %get3A = arith.constant 0 : index
    %get3A_21 = tpu.vector_load %arg11[%get3A] {strides = array<i32>} : memref<16xf32, #tpu.memory_space<vmem>>, vector<16xf32>,
    %get3A_22 = vector.shape_cast %get3A_21 : vector<16xf32> to vector<16xf32>
    %convert_element_type3A = arith.fptosi %get3A_22 : vector<16xf32> to vector<16xi32>
    %scan3A = arith.constant 0 : i32
    %scan3A_23 = arith.constant 0 : i32
    %scan3A_24 = arith.constant 128 : i32
    %scan3A_25 = arith.addi %scan3A_23, %scan3A_24 : i32
    %scan3A_26 = arith.constant 1 : i32
    scf.for %scan3A_34 = %scan3A_23 to %scan3A_25 step %scan3A_26  : i32 {
      %mul3A_35 = arith.constant 16 : i32
      %mul3A_36 = arith.muli %scan3A_34, %mul3A_35 : i32
      %get3A_37 = arith.index_cast %mul3A_36 : i32 to index
      %get3A_38 = tpu.vector_load %arg8[%get3A_37] {strides = array<i32>} : memref<2048xf32, #tpu.memory_space<vmem>>, vector<16xf32>,
      %get3A_39 = vector.shape_cast %get3A_38 : vector<16xf32> to vector<16xf32>
      %add3A_40 = arith.constant 5.000000e-01 : f32
      %add3A_41 = vector.broadcast %add3A_40 : f32 to vector<16xf32>
      %add3A_42 = arith.addf %get3A_39, %add3A_41 : vector<16xf32>
      %mul3A_43 = arith.mulf %add3A_42, %get3A_22 : vector<16xf32>
      %convert_element_type3A_44 = arith.fptosi %mul3A_43 : vector<16xf32> to vector<16xi32>
      %get3A_45 = arith.index_cast %mul3A_36 : i32 to index
      %get3A_46 = tpu.vector_load %arg9[%get3A_45] {strides = array<i32>} : memref<2048xf32, #tpu.memory_space<vmem>>, vector<16xf32>,
      %get3A_47 = vector.shape_cast %get3A_46 : vector<16xf32> to vector<16xf32>
      %add3A_48 = arith.constant 5.000000e-01 : f32
      %add3A_49 = vector.broadcast %add3A_48 : f32 to vector<16xf32>
      %add3A_50 = arith.addf %get3A_47, %add3A_49 : vector<16xf32>
      %mul3A_51 = arith.mulf %add3A_50, %get3A_22 : vector<16xf32>
      %convert_element_type3A_52 = arith.fptosi %mul3A_51 : vector<16xf32> to vector<16xi32>
      %get3A_53 = arith.index_cast %mul3A_36 : i32 to index
      %get3A_54 = tpu.vector_load %arg10[%get3A_53] {strides = array<i32>} : memref<2048xf32, #tpu.memory_space<vmem>>, vector<16xf32>,
      %get3A_55 = vector.shape_cast %get3A_54 : vector<16xf32> to vector<16xf32>
      %add3A_56 = arith.constant 5.000000e-01 : f32
      %add3A_57 = vector.broadcast %add3A_56 : f32 to vector<16xf32>
      %add3A_58 = arith.addf %get3A_55, %add3A_57 : vector<16xf32>
      %mul3A_59 = arith.mulf %add3A_58, %get3A_22 : vector<16xf32>
      %convert_element_type3A_60 = arith.fptosi %mul3A_59 : vector<16xf32> to vector<16xi32>
      %mul3A_61 = arith.muli %convert_element_type3A_44, %convert_element_type3A : vector<16xi32>
      %add3A_62 = arith.addi %mul3A_61, %convert_element_type3A_52 : vector<16xi32>
      %mul3A_63 = arith.muli %add3A_62, %convert_element_type3A : vector<16xi32>
      %add3A_64 = arith.addi %mul3A_63, %convert_element_type3A_60 : vector<16xi32>
      %jit3A_65 = arith.constant 0 : i32
      %jit3A_66 = arith.constant 4095 : i32
      %max3A = vector.broadcast %jit3A_65 : i32 to vector<16xi32>
      %max3A_67 = arith.maxsi %max3A, %add3A_64 : vector<16xi32>
      %min3A = vector.broadcast %jit3A_66 : i32 to vector<16xi32>
      %min3A_68 = arith.minsi %min3A, %max3A_67 : vector<16xi32>
      %add3A_69 = vector.broadcast %mul3A_20 : i32 to vector<16xi32>
      %add3A_70 = arith.addi %min3A_68, %add3A_69 : vector<16xi32>
      %jit3A_71 = arith.constant 8 : i32
      %div3A_72 = arith.divsi %scan3A_34, %jit3A_71 : i32
      %sign3A_73 = arith.constant 0 : i32
      %sign3A_74 = arith.cmpi sgt, %scan3A_34, %sign3A_73 : i32
      %sign3A_75 = arith.extui %sign3A_74 : i1 to i32
      %sign3A_76 = arith.constant 0 : i32
      %sign3A_77 = arith.cmpi slt, %scan3A_34, %sign3A_76 : i32
      %sign3A_78 = arith.extui %sign3A_77 : i1 to i32
      %sign3A_79 = arith.subi %sign3A_75, %sign3A_78 : i32
      %sign3A_80 = arith.constant 0 : i32
      %sign3A_81 = arith.cmpi sgt, %jit3A_71, %sign3A_80 : i32
      %sign3A_82 = arith.extui %sign3A_81 : i1 to i32
      %sign3A_83 = arith.constant 0 : i32
      %sign3A_84 = arith.cmpi slt, %jit3A_71, %sign3A_83 : i32
      %sign3A_85 = arith.extui %sign3A_84 : i1 to i32
      %sign3A_86 = arith.subi %sign3A_82, %sign3A_85 : i32
      %ne3A_87 = arith.cmpi ne, %sign3A_79, %sign3A_86 : i32
      %rem3A_88 = arith.remsi %scan3A_34, %jit3A_71 : i32
      %ne3A_89 = arith.constant 0 : i32
      %ne3A_90 = arith.cmpi ne, %rem3A_88, %ne3A_89 : i32
      %and3A_91 = arith.andi %ne3A_87, %ne3A_90 : i1
      %sub3A_92 = arith.constant 1 : i32
      %sub3A_93 = arith.subi %div3A_72, %sub3A_92 : i32
      %select_n3A_94 = arith.select %and3A_91, %sub3A_93, %div3A_72 : i32
      %jit3A_95 = arith.constant 8 : i32
      %eq3A = arith.constant 0 : i32
      %eq3A_96 = arith.cmpi eq, %jit3A_95, %eq3A : i32
      %jit3A_97 = arith.constant 1 : i32
      %select_n3A_98 = arith.select %eq3A_96, %jit3A_97, %jit3A_95 : i32
      %rem3A_99 = arith.remsi %scan3A_34, %select_n3A_98 : i32
      %ne3A_100 = arith.constant 0 : i32
      %ne3A_101 = arith.cmpi ne, %rem3A_99, %ne3A_100 : i32
      %lt3A = arith.constant 0 : i32
      %lt3A_102 = arith.cmpi slt, %rem3A_99, %lt3A : i32
      %lt3A_103 = arith.constant 0 : i32
      %lt3A_104 = arith.cmpi slt, %select_n3A_98, %lt3A_103 : i32
      %ne3A_105 = arith.xori %lt3A_102, %lt3A_104 : i1
      %and3A_106 = arith.andi %ne3A_105, %ne3A_101 : i1
      %add3A_107 = arith.addi %rem3A_99, %select_n3A_98 : i32
      %select_n3A_108 = arith.select %and3A_106, %add3A_107, %rem3A_99 : i32
      %mul3A_109 = arith.constant 16 : i32
      %mul3A_110 = arith.muli %select_n3A_108, %mul3A_109 : i32
      %swap3A = arith.index_cast %select_n3A_94 : i32 to index
      %swap3A_111 = arith.index_cast %mul3A_110 : i32 to index
      %swap3A_112 = tpu.vector_load %arg12[%swap3A, %swap3A_111] {strides = array<i32>} : memref<16x128xi32, #tpu.memory_space<vmem>>, vector<1x16xi32>,
      %swap3A_113 = vector.shape_cast %swap3A_112 : vector<1x16xi32> to vector<16xi32>
      %swap3A_114 = vector.shape_cast %add3A_70 : vector<16xi32> to vector<1x16xi32>
      tpu.vector_store %arg12[%swap3A, %swap3A_111], %swap3A_114 {strides = array<i32>} : memref<16x128xi32, #tpu.memory_space<vmem>>, vector<1x16xi32>,
    }
    %scan3A_27 = arith.constant 128 : i32
    %scan3A_28 = arith.constant 0 : i32
    %scan3A_29 = arith.constant 0 : i32
    %scan3A_30 = arith.constant 16 : i32
    %scan3A_31 = arith.addi %scan3A_29, %scan3A_30 : i32
    %scan3A_32 = arith.constant 1 : i32
    scf.for %scan3A_34 = %scan3A_29 to %scan3A_31 step %scan3A_32  : i32 {
      %dma_start3A = arith.constant 0 : i32
      %dma_start3A_35 = tpu.memref_slice %arg12[%scan3A_34, %dma_start3A] : memref<16x128xi32, #tpu.memory_space<vmem>> -> memref<1x128xi32, #tpu.memory_space<vmem>>
      %dma_start3A_36 = tpu.memref_squeeze %dma_start3A_35 : memref<1x128xi32, #tpu.memory_space<vmem>> -> memref<128xi32, #tpu.memory_space<vmem>>
      %dma_start3A_37 = arith.constant 0 : i32
      %dma_start3A_38 = arith.constant 0 : i32
      %dma_start3A_39 = tpu.memref_slice %arg6[%dma_start3A_37, %dma_start3A_38] : memref<16384x512xf32, #tpu.memory_space<hbm>> -> memref<16384x512xf32, #tpu.memory_space<hbm>>
      tpu.enqueue_indirect_dma source(%dma_start3A_39 : memref<16384x512xf32, #tpu.memory_space<hbm>>) target(%arg13 : memref<128x512xf32, #tpu.memory_space<vmem>>) offsets(%dma_start3A_36 : memref<128xi32, #tpu.memory_space<vmem>>) semaphore(%arg14 : memref<!tpu.dma_semaphore, #tpu.memory_space<semaphore_mem>>)
      %dma_wait3A = arith.constant 0 : i32
      %dma_wait3A_40 = tpu.memref_slice %arg12[%scan3A_34, %dma_wait3A] : memref<16x128xi32, #tpu.memory_space<vmem>> -> memref<1x128xi32, #tpu.memory_space<vmem>>
      %dma_wait3A_41 = tpu.memref_squeeze %dma_wait3A_40 : memref<1x128xi32, #tpu.memory_space<vmem>> -> memref<128xi32, #tpu.memory_space<vmem>>
      %dma_wait3A_42 = arith.constant 0 : i32
      %dma_wait3A_43 = arith.constant 0 : i32
      %dma_wait3A_44 = tpu.memref_slice %arg6[%dma_wait3A_42, %dma_wait3A_43] : memref<16384x512xf32, #tpu.memory_space<hbm>> -> memref<16384x512xf32, #tpu.memory_space<hbm>>
      tpu.wait_indirect_dma semaphore(%arg14 : memref<!tpu.dma_semaphore, #tpu.memory_space<semaphore_mem>>) src(%dma_wait3A_44 : memref<16384x512xf32, #tpu.memory_space<hbm>>) dst(%arg13 : memref<128x512xf32, #tpu.memory_space<vmem>>)
      %mul3A_45 = arith.constant 128 : i32
      %mul3A_46 = arith.muli %scan3A_34, %mul3A_45 : i32
      %add3A_47 = arith.addi %mul3A_2, %mul3A_46 : i32
      "tpu.region"() ({
        %run_scoped3A = tpu.sem_alloc : memref<!tpu.dma_semaphore, #tpu.memory_space<semaphore_mem>>
        %dma_start3A_48 = arith.constant 0 : i32
        %dma_start3A_49 = tpu.memref_slice %arg7[%add3A_47, %dma_start3A_48] : memref<65536x512xf32, #tpu.memory_space<hbm>> -> memref<128x512xf32, #tpu.memory_space<hbm>>
        %dma_start3A_50 = arith.constant 0 : i32
        %dma_start3A_51 = tpu.memref_slice %arg7[%add3A_47, %dma_start3A_50] : memref<65536x512xf32, #tpu.memory_space<hbm>> -> memref<128x512xf32, #tpu.memory_space<hbm>>
        tpu.enqueue_dma source(%arg13 : memref<128x512xf32, #tpu.memory_space<vmem>>) target(%dma_start3A_51 : memref<128x512xf32, #tpu.memory_space<hbm>>) target_semaphore(%run_scoped3A : memref<!tpu.dma_semaphore, #tpu.memory_space<semaphore_mem>>)
        %dma_wait3A_52 = arith.constant 0 : i32
        %dma_wait3A_53 = tpu.memref_slice %arg7[%add3A_47, %dma_wait3A_52] : memref<65536x512xf32, #tpu.memory_space<hbm>> -> memref<128x512xf32, #tpu.memory_space<hbm>>
        %dma_wait3A_54 = arith.constant 0 : i32
        %dma_wait3A_55 = tpu.memref_slice %arg7[%add3A_47, %dma_wait3A_54] : memref<65536x512xf32, #tpu.memory_space<hbm>> -> memref<128x512xf32, #tpu.memory_space<hbm>>
        tpu.wait_dma2 semaphore(%run_scoped3A : memref<!tpu.dma_semaphore, #tpu.memory_space<semaphore_mem>>) src(%arg13 : memref<128x512xf32, #tpu.memory_space<vmem>>) dst(%dma_wait3A_55 : memref<128x512xf32, #tpu.memory_space<hbm>>)
        tpu.yield
      }) : () -> ()
    }
    %scan3A_33 = arith.constant 16 : i32
    return
  }
}

module attributes {stable_mosaic.version = 14 : i64} {
  func.func @_mlp_body(%arg0: i32, %arg1: memref<512x512xf32, #tpu.memory_space<vmem>>, %arg2: memref<512x512xf32, #tpu.memory_space<vmem>>, %arg3: memref<1x512xf32, #tpu.memory_space<vmem>>, %arg4: memref<512x512xf32, #tpu.memory_space<vmem>>, %arg5: memref<1x512xf32, #tpu.memory_space<vmem>>, %arg6: memref<512x512xf32, #tpu.memory_space<vmem>>) attributes {dimension_semantics = [#tpu.dimension_semantics<arbitrary>], iteration_bounds = array<i64: 32>, scalar_prefetch = 0 : i64, scratch_operands = 0 : i64, tpu.core_type = #tpu.core_type<tc>, window_params = [{transform_indices = @transform_0, window_bounds = array<i64: 512, 512>}, {pipeline_mode = #tpu.pipeline_mode<synchronous>, transform_indices = @transform_1, window_bounds = array<i64: 512, 512>}, {pipeline_mode = #tpu.pipeline_mode<synchronous>, transform_indices = @transform_2, window_bounds = array<i64: 1, 512>}, {pipeline_mode = #tpu.pipeline_mode<synchronous>, transform_indices = @transform_3, window_bounds = array<i64: 512, 512>}, {pipeline_mode = #tpu.pipeline_mode<synchronous>, transform_indices = @transform_4, window_bounds = array<i64: 1, 512>}, {transform_indices = @transform_5, window_bounds = array<i64: 512, 512>}]} {
    %get3A = arith.constant 0 : index
    %get3A_0 = arith.constant 0 : index
    %get3A_1 = vector.load %arg1[%get3A, %get3A_0] : memref<512x512xf32, #tpu.memory_space<vmem>>, vector<512x512xf32>
    %get3A_2 = arith.constant 0 : index
    %get3A_3 = arith.constant 0 : index
    %get3A_4 = vector.load %arg2[%get3A_2, %get3A_3] : memref<512x512xf32, #tpu.memory_space<vmem>>, vector<512x512xf32>
    %dot_general3A = arith.constant dense<0.000000e+00> : vector<512x512xf32>
    %dot_general3A_5 = tpu.matmul %get3A_1, %get3A_4, %dot_general3A {dimension_numbers = #tpu.dot_dimension_numbers<[1], [0], [0], [1], [0, 0, 1, 1], [], []>, transpose_lhs_hint = false} : vector<512x512xf32>, vector<512x512xf32>, vector<512x512xf32> -> vector<512x512xf32>
    %get3A_6 = arith.constant 0 : index
    %get3A_7 = arith.constant 0 : index
    %get3A_8 = vector.load %arg3[%get3A_6, %get3A_7] : memref<1x512xf32, #tpu.memory_space<vmem>>, vector<1x512xf32>
    %add3A = vector.broadcast %get3A_8 : vector<1x512xf32> to vector<512x512xf32>
    %add3A_9 = arith.addf %dot_general3A_5, %add3A : vector<512x512xf32>
    %logistic3A = arith.negf %add3A_9 : vector<512x512xf32>
    %logistic3A_10 = math.exp %logistic3A : vector<512x512xf32>
    %logistic3A_11 = arith.constant 1.000000e+00 : f32
    %logistic3A_12 = vector.broadcast %logistic3A_11 : f32 to vector<512x512xf32>
    %logistic3A_13 = arith.addf %logistic3A_12, %logistic3A_10 : vector<512x512xf32>
    %logistic3A_14 = arith.divf %logistic3A_12, %logistic3A_13 : vector<512x512xf32>
    %mul3A = arith.mulf %add3A_9, %logistic3A_14 : vector<512x512xf32>
    %get3A_15 = arith.constant 0 : index
    %get3A_16 = arith.constant 0 : index
    %get3A_17 = vector.load %arg4[%get3A_15, %get3A_16] : memref<512x512xf32, #tpu.memory_space<vmem>>, vector<512x512xf32>
    %dot_general3A_18 = arith.constant dense<0.000000e+00> : vector<512x512xf32>
    %dot_general3A_19 = tpu.matmul %mul3A, %get3A_17, %dot_general3A_18 {dimension_numbers = #tpu.dot_dimension_numbers<[1], [0], [0], [1], [0, 0, 1, 1], [], []>, transpose_lhs_hint = false} : vector<512x512xf32>, vector<512x512xf32>, vector<512x512xf32> -> vector<512x512xf32>
    %get3A_20 = arith.constant 0 : index
    %get3A_21 = arith.constant 0 : index
    %get3A_22 = vector.load %arg5[%get3A_20, %get3A_21] : memref<1x512xf32, #tpu.memory_space<vmem>>, vector<1x512xf32>
    %add3A_23 = vector.broadcast %get3A_22 : vector<1x512xf32> to vector<512x512xf32>
    %add3A_24 = arith.addf %dot_general3A_19, %add3A_23 : vector<512x512xf32>
    %swap3A = arith.constant 0 : index
    %swap3A_25 = arith.constant 0 : index
    %swap3A_26 = vector.load %arg6[%swap3A, %swap3A_25] : memref<512x512xf32, #tpu.memory_space<vmem>>, vector<512x512xf32>
    tpu.vector_store %arg6[%swap3A, %swap3A_25], %add3A_24 {strides = array<i32>} : memref<512x512xf32, #tpu.memory_space<vmem>>, vector<512x512xf32>,
    return
  }
  func.func @transform_0(%arg0: i32) -> (i32, i32) {
    %c0_i32 = arith.constant 0 : i32
    %c0_i32_0 = arith.constant 0 : i32
    return %arg0, %c0_i32 : i32, i32
  }
  func.func @transform_1(%arg0: i32) -> (i32, i32) {
    %c0_i32 = arith.constant 0 : i32
    %c0_i32_0 = arith.constant 0 : i32
    %c0_i32_1 = arith.constant 0 : i32
    return %c0_i32, %c0_i32_0 : i32, i32
  }
  func.func @transform_2(%arg0: i32) -> (i32, i32) {
    %c0_i32 = arith.constant 0 : i32
    %c0_i32_0 = arith.constant 0 : i32
    %c0_i32_1 = arith.constant 0 : i32
    return %c0_i32, %c0_i32_0 : i32, i32
  }
  func.func @transform_3(%arg0: i32) -> (i32, i32) {
    %c0_i32 = arith.constant 0 : i32
    %c0_i32_0 = arith.constant 0 : i32
    %c0_i32_1 = arith.constant 0 : i32
    return %c0_i32, %c0_i32_0 : i32, i32
  }
  func.func @transform_4(%arg0: i32) -> (i32, i32) {
    %c0_i32 = arith.constant 0 : i32
    %c0_i32_0 = arith.constant 0 : i32
    %c0_i32_1 = arith.constant 0 : i32
    return %c0_i32, %c0_i32_0 : i32, i32
  }
  func.func @transform_5(%arg0: i32) -> (i32, i32) {
    %c0_i32 = arith.constant 0 : i32
    %c0_i32_0 = arith.constant 0 : i32
    return %arg0, %c0_i32 : i32, i32
  }
}

</mosaic_0001>

<sc_bundles>
// kernel: kernel.4.cloned.1.call-start
scs
__scs_entry_jumppad:
0x0: {  	(pc) =	sbr.rel $0x88, $3  }
0x1: {  	(tag) =	ssettag $0x0;
	lr =	simm.s32 $0x1  }
0x2: {  	[smem:$0x3F9A] =	sst lr;
	_ =	strace $0xD0000000  }
0x3: {  	_ = 	snop  }
0x4: {  	_ = 	snop  }
0x5: {  	_ = 	snop  }
0x6: {  	_ = 	snop  }
0x7: {  	_ = 	snop  }
__scs_overlays_trampoline_lowered:
0x8: {  	[smem:$0x3FA9] =	sst s0  }
0x9: {  	[smem:$0x3FAA] =	sst s1  }
0xa: {  	[smem:$0x3FAB] =	sst s2  }
0xb: {  	[smem:$0x3FAC] =	sst s3  }
0xc: {  	[smem:$0x3FAD] =	sst s4  }
0xd: {  	[smem:$0x3FAE] =	sst s5  }
0xe: {  	[smem:$0x3FAF] =	sst s6  }
0xf: {  	[smem:$0x3FB0] =	sst s7  }
0x10: {  	[smem:$0x3FB1] =	sst s8  }
0x11: {  	[smem:$0x3FB2] =	sst s9;
	s0 =	simm.s32 @!p0 $0x0  }
0x12: {  	s1 =	sld [smem:$0x3F98];
	s0 =	simm.s32 @p0 $0x1  }
0x13: {  	[smem:$0x3FB3] =	sst s0;
	s0 =	simm.s32 @!p1 $0x0  }
0x14: {  	s2 =	sld [smem:$0x3F97];
	s0 =	simm.s32 @p1 $0x1  }
0x15: {  	[smem:$0x3FB4] =	sst s0;
	s0 =	simm.s32 @!p2 $0x0  }
0x16: {  	s3 =	sld [smem:$0x3FDB];
	s0 =	simm.s32 @p2 $0x1  }
0x17: {  	s4 =	simm.s32 $0x1BF5;
	[smem:$0x3FB6] =	sst s0  }
0x18: {  	s0 =	sld [smem:$0x3F99];
	_ =	swait.ge [sflag:s4], $0x0  }
0x19: {  	s7 =	sld [smem:$0x3F9A]  }
0x1a: {  	s8 =	sadd.s32 $0xFFFFE003, lr  }
0x1b: {  	s9 =	sadd.s32 $0xFFFFFEF7, lr;
	s5 =	simm.s32 $0xFFFFFFFF;
	p2 =	slt.u32 s8, $0xFFFFF086  }
0x1c: {  	p1 =	slt.u32 s9, $0xF7A;
	s5 =	simm.s32 @!p2 $0x0  }
0x1d: {  	s5 =	simm.s32 @p1 $0x1;
	p0 =	seq.s32 s7, s2  }
0x1e: {  	s7 =	smul.u32 @!p0 $0xF7A, s2;
	p2 =	seq.s32 @!p0 s5, $0x0  }
0x1f: {  	s9 =	smul.u32 $0xF7A, s1;
	s8 =	simm.s32 @!p0 $0x1BF5;
	p2 =	por !p2, p0  }
0x20: {  	[sflag:s8] =	ssyncset.s32 @!p0 $0xFFFFF086;
	s6 =	sadd.s32 @!p0 s3, s7;
	s7 =	simm.s32 @!p0 $0x108  }
0x21: {  	s3 =	sadd.s32 s3, s9;
	s6 =	sadd.s32 @!p0 $0x88, s6;
	s7 =	simm.s32 @p2 $0x1082  }
0x22: {  	[simem:s7], [sflag:s8] =	dma.local @!p0 [hbm:s6], $0xF7A  }
0x23: {  	s9 =	sor.u32 $0xD0000000, s2;
	s6 =	simm.s32 $0x108;
	_ =	swait.ge @!p0 [sflag:s8], $0x0  }
0x24: {  	s3 =	sadd.s32 $0x88, s3;
	s6 =	simm.s32 @!p1 $0x1082;
	[sflag:s4] =	ssyncset.s32 $0xFFFFF086  }
0x25: {  	[simem:s6], [sflag:s4] =	dma.local [hbm:s3], $0xF7A  }
0x26: {  	[smem:$0x3F9A] =	sst s1;
	(tag) =	ssettag s2;
	_ =	strace s9  }
0x27: {  	s1 =	sld [smem:$0x3FAA]  }
0x28: {  	s2 =	sld [smem:$0x3FAB]  }
0x29: {  	s4 =	sld [smem:$0x3FAD]  }
0x2a: {  	p0 =	seq.s32 s5, $0x0;
	s5 =	sld [smem:$0x3FAE]  }
0x2b: {  	s6 =	sld [smem:$0x3FAF]  }
0x2c: {  	s7 =	sld [smem:$0x3FB0]  }
0x2d: {  	s3 =	simm.s32 $0x108;
	s8 =	sld [smem:$0x3FB1]  }
0x2e: {  	s3 =	simm.s32 @!p0 $0x1082;
	s9 =	sld [smem:$0x3FB2]  }
0x2f: {  	lr =	sadd.s32 s0, s3;
	s0 =	sld [smem:$0x3FA9]  }
0x30: {  	s3 =	sld [smem:$0x3FAC]  }
0x31: {  	[smem:$0x3FB5] =	sst s10  }
0x32: {  	s10 =	sld [smem:$0x3FB3];
	_ =	sdelay $0x3  }
0x33: {  	p0 =	seq.s32 s10, $0x1;
	s10 =	sld [smem:$0x3FB5];
	_ =	sdelay $0x3  }
0x34: {  	[smem:$0x3FB5] =	sst s10  }
0x35: {  	s10 =	sld [smem:$0x3FB4];
	_ =	sdelay $0x3  }
0x36: {  	p1 =	seq.s32 s10, $0x1;
	s10 =	sld [smem:$0x3FB5];
	_ =	sdelay $0x3  }
0x37: {  	[smem:$0x3FB5] =	sst s10  }
0x38: {  	s10 =	sld [smem:$0x3FB6]  }
0x39: {  	_ = 	snop;
	(pc) =	sbr.ind lr, $3  }
0x3a: {  	_ = 	snop  }
0x3b: {  	_ = 	snop  }
0x3c: {  	p2 =	seq.s32 s10, $0x1;
	s10 =	sld [smem:$0x3FB5]  }
0x3d: {  	_ =	shalt  }
0x3e: {  	_ =	shalt  }
0x3f: {  	_ =	shalt  }
0x40: {  	_ =	shalt  }
0x41: {  	_ =	shalt  }
0x42: {  	_ =	shalt  }
0x43: {  	_ =	shalt  }
0x44: {  	_ =	shalt  }
0x45: {  	_ =	shalt  }
0x46: {  	_ =	shalt  }
0x47: {  	_ =	shalt  }
0x48: {  	_ =	shalt  }
0x49: {  	_ =	shalt  }
0x4a: {  	_ =	shalt  }
0x4b: {  	_ =	shalt  }
0x4c: {  	_ =	shalt  }
0x4d: {  	_ =	shalt  }
0x4e: {  	_ =	shalt  }
0x4f: {  	_ =	shalt  }
0x50: {  	_ =	shalt  }
0x51: {  	_ =	shalt  }
0x52: {  	_ =	shalt  }
0x53: {  	_ =	shalt  }
0x54: {  	_ =	shalt  }
0x55: {  	_ =	shalt  }
0x56: {  	_ =	shalt  }
0x57: {  	_ =	shalt  }
0x58: {  	_ =	shalt  }
0x59: {  	_ =	shalt  }
0x5a: {  	_ =	shalt  }
0x5b: {  	_ =	shalt  }
0x5c: {  	_ =	shalt  }
0x5d: {  	_ =	shalt  }
0x5e: {  	_ =	shalt  }
0x5f: {  	_ =	shalt  }
0x60: {  	_ =	shalt  }
0x61: {  	_ =	shalt  }
0x62: {  	_ =	shalt  }
0x63: {  	_ =	shalt  }
0x64: {  	_ =	shalt  }
0x65: {  	_ =	shalt  }
0x66: {  	_ =	shalt  }
0x67: {  	_ =	shalt  }
0x68: {  	_ =	shalt  }
0x69: {  	_ =	shalt  }
0x6a: {  	_ =	shalt  }
0x6b: {  	_ =	shalt  }
0x6c: {  	_ =	shalt  }
0x6d: {  	_ =	shalt  }
0x6e: {  	_ =	shalt  }
0x6f: {  	_ =	shalt  }
0x70: {  	_ =	shalt  }
0x71: {  	_ =	shalt  }
0x72: {  	_ =	shalt  }
0x73: {  	_ =	shalt  }
0x74: {  	_ =	shalt  }
0x75: {  	_ =	shalt  }
0x76: {  	_ =	shalt  }
0x77: {  	_ =	shalt  }
0x78: {  	_ =	shalt  }
0x79: {  	_ =	shalt  }
0x7a: {  	_ =	shalt  }
0x7b: {  	_ =	shalt  }
0x7c: {  	_ =	shalt  }
0x7d: {  	_ =	shalt  }
0x7e: {  	_ =	shalt  }
0x7f: {  	_ =	shalt  }
0x80: {  	_ =	shalt  }
0x81: {  	_ =	shalt  }
0x82: {  	_ =	shalt  }
0x83: {  	_ =	shalt  }
0x84: {  	_ =	shalt  }
0x85: {  	_ =	shalt  }
0x86: {  	_ =	shalt  }
0x87: {  	_ =	shalt  }
.Lfunc_end0:
.L_simem_size_0:
called_computation_lowered:
.L_overlay_start_0:
0x88: {  	s2 =	sld [smem:$0x3FD9]  }
0x89: {  	s3 =	sld [smem:$0x3FFE];
	_ =	sdelay $0x1  }
0x8a: {  	s1 =	srdreg.scid  }
0x8b: {  	s0 =	sand.u32 $0x1, s1  }
0x8c: {  	s17 =	sshll.u32 s0, $0xA;
	s2 =	sadd.s32 s3, s2  }
0x8d: {  	s2 =	sadd.s32 s2, s17  }
0x8e: {  	[smem:$0x3FC1] =	sst s2  }
0x8f: {  	_ = 	snop  }
0x90: {  	s2 =	sld [smem:$0x3FD0];
	(tm) =	ssettm $0x1  }
0x91: {  	s18 =	sld [smem:$0x3FFB];
	_ =	sdelay $0x3  }
0x92: {  	_ =	strace s18  }
0x93: {  	s3 =	sld [smem:$0x3FFC];
	_ =	sdelay $0x3  }
0x94: {  	_ =	strace s3  }
0x95: {  	s3 =	sld [smem:$0x3FFD];
	_ =	sdelay $0x3  }
0x96: {  	_ =	strace s3  }
0x97: {  	_ =	strace $0x8FFFFFFF  }
0x98: {  	s19 =	sld [smem:$0x3FDB];
	_ =	sdelay $0x1  }
0x99: {  	s4 =	simm.s32 $_scs_section_size  }
0x9a: {  	s5 =	simm.s32 $_size__tile_overlayer_lowered;
	s6 =	simm.s32 $_tile_overlayer_lowered  }
0x9b: {  	s22 =	simm.s32 $0x1BFF;
	s21 =	sshll.u32 s6, $0x1;
	s3 =	sadd.s32 s4, s19  }
0x9c: {  	s7 =	simm.s32 $0x0;
	s20 =	sshll.u32 s5, $0x1;
	s5 =	sadd.s32 s21, s3  }
0x9d: {  	[timem:s7], [sflag:s22] =	dma.local [hbm:s5], s20  }
0x9e: {  	_ =	swait.ge [sflag:s22], s20  }
0x9f: {  	s4 =	ssub.s32 $0x0, s20;
	[sflag:s22] =	ssyncset.done $0x0  }
0xa0: {  	[sflag:s22] =	ssyncadd.s32 s4;
	_ =	sdelay $0x1  }
0xa1: {  	s23 =	simm.s32 $0x1B8B  }
0xa2: {  	_ =	swait.ge [sflag:s23], $0x1  }
0xa3: {  	[sflag:s23] =	ssyncset.done $0x0  }
0xa4: {  	s25 =	simm.s32 $0x1B8E;
	s24 =	sld [smem:$0x3FFE];
	[sflag:s23] =	ssyncadd.s32 $0xFFFFFFFF  }
0xa5: {  	s26 =	simm.s32 $execute0_lowered;
	[smem:$0x3FD2] =	sst s25  }
0xa6: {  	s5 =	sshll.u32 s26, $0x1;
	_ =	strace $0x80000046;
	[dreg:$0x1] =	wrdreg $0xFFFFFFFF  }
0xa7: {  	s28 =	simm.s32 $_size_execute0_lowered;
	s3 =	sadd.s32 s3, s5;
	[dreg:$0x0] =	wrdreg $0x0  }
0xa8: {  	s5 =	sshll.u32 s28, $0x1;
	[dreg:$0x2] =	wrdreg s3  }
0xa9: {  	[dreg:$0x3] =	wrdreg s5  }
0xaa: {  	[dreg:$0x4] =	wrdreg $0xC0  }
0xab: {  	_ =	task [dreg:s7], $0x5FFFF  }
0xac: {  	[dreg:$0x1] =	wrdreg $0xFFFFFFFF  }
0xad: {  	[dreg:$0x0] =	wrdreg $0x60  }
0xae: {  	[dreg:$0x2] =	wrdreg s24  }
0xaf: {  	[dreg:$0x3] =	wrdreg s2  }
0xb0: {  	[dreg:$0x4] =	wrdreg $0x9  }
0xb1: {  	_ =	task.clear_ibuf [dreg:s7], $0x5FFFF;
	_ =	strace $0x90000046  }
0xb2: {  	s29 =	simm.s32 $0x9;
	_ =	strace $0x80000048  }
0xb3: {  	_ =	swait.ge [sflag:s29], $0x1  }
0xb4: {  	[sflag:s29] =	ssyncadd.s32 $0xFFFFFFFF  }
0xb5: {  	_ =	strace $0x90000048  }
0xb6: {  	_ =	sfence  }
0xb7: {  	s30 =	sld [smem:$0x0];
	_ =	sdelay $0x2  }
0xb8: {  	s31 =	sshll.u32 s1, $0xD;
	s1 =	sshrl.u32 s1, $0x2  }
0xb9: {  	s3 =	sand.u32 $0x4000, s31;
	s1 =	sadd.s32 s1, s30  }
0xba: {  	s0 =	sor.u32 s3, s0;
	s1 =	sshll.u32 s1, $0x11  }
0xbb: {  	s0 =	sor.u32 s1, s0  }
0xbc: {  	s0 =	sadd.s32 $0x8F2B, s0  }
0xbd: {  	[sflag:s0] =	ssyncadd.remote.s32 $0x1  }
0xbe: {  	_ =	sfence.sel $0xFFFF  }
0xbf: {  	[dreg:$0x0] =	wrdreg $0xFFFFFFFF;
	(pc) =	sbr.abs _section_cstart, $3  }
0xc0: {  	[dreg:$0x1] =	wrdreg $0xFFFFFFFF  }
0xc1: {  	_ =	task.clear_ibuf [dreg:s7], $0x2FFFF;
	_ =	strace $0x9FFFFFFF  }
0xc2: {  	(tm) =	ssettm $0x7FFFFFFF  }
0xc3: {  	_ =	shalt  }
tec
execute0_lowered:
.L_overlay_start_1:
0x0: {  	(tag) =	ssettag $0x1  }
0x1: {  	s0 =	srdreg.scid  }
0x2: {  	s1 =	rddreg [dreg:$0x0];
	s8 =	stileid.u32  }
0x3: {  	s3 =	rddreg [dreg:$0x1];
	s2 =	simm.s32 $0x0;
	s13 =	simm.s32 $0x2880  }
0x4: {  	s14 =	simm.s32 $0x3080;
	s16 =	simm.s32 $0x3880;
	s18 =	simm.s32 $0x4080  }
0x5: {  	s19 =	simm.s32 $0x4880;
	[smem:$0x7FF] =	sst s2;
	s10 =	sadd.s32 $0x106E00, s1  }
0x6: {  	s20 =	simm.s32 $0x5080;
	_ =	strace $0x80000047;
	[dreg:$0xf] =	wrdreg s10  }
0x7: {  	s22 =	simm.s32 $0x5880;
	s23 =	simm.s32 $0x6080;
	[dreg:$0x4] =	wrdreg s13  }
0x8: {  	s24 =	simm.s32 $0x6880;
	s25 =	simm.s32 $0x7080;
	[dreg:$0x5] =	wrdreg s14  }
0x9: {  	s26 =	simm.s32 $0x7880;
	s28 =	simm.s32 $0xE080;
	[dreg:$0x6] =	wrdreg s16  }
0xa: {  	s29 =	simm.s32 $0xE880;
	s30 =	simm.s32 $0xF080;
	[dreg:$0x7] =	wrdreg s18  }
0xb: {  	s31 =	simm.s32 $0xF880;
	s0 =	sand.u32 $0x1, s0;
	[dreg:$0x8] =	wrdreg s19  }
0xc: {  	s4 =	sshll.u32 s8, $0xC;
	s11 =	sshll.u32 s8, $0x12;
	[dreg:$0x9] =	wrdreg s20  }
0xd: {  	s12 =	sshll.u32 s8, $0xA;
	s8 =	sadd.s32 $0x6F00, s1;
	[dreg:$0xa] =	wrdreg s22  }
0xe: {  	s5 =	sshll.u32 s0, $0xB;
	s6 =	ssub.s32 $0x2, s0;
	[dreg:$0xb] =	wrdreg s23  }
0xf: {  	s3 =	sadd.s32 s11, s3;
	s0 =	sshll.u32 s0, $0x11;
	[dreg:$0xc] =	wrdreg s24  }
0x10: {  	s10 =	simm.s32 $0x2;
	[dreg:$0xd] =	wrdreg s25;
	s14 =	simm.s32 $0x2080  }
0x11: {  	[dreg:$0xe] =	wrdreg s26;
	s16 =	simm.s32 $0x8880;
	s18 =	simm.s32 $0x9880  }
0x12: {  	s19 =	simm.s32 $0xA080;
	s20 =	simm.s32 $0xA880;
	s22 =	simm.s32 $0xB880  }
0x13: {  	s23 =	simm.s32 $0xC080;
	s24 =	simm.s32 $0xC880;
	s25 =	simm.s32 $0xD080  }
0x14: {  	s26 =	simm.s32 $0xD880;
	s11 =	simm.s32 $0x11080;
	s13 =	simm.s32 $0x1  }
0x15: {  	s4 =	sor.u32 s5, s4;
	s7 =	sshrl.u32 s6, $0x1;
	s0 =	sadd.s32 s0, s3  }
0x16: {  	s3 =	sand.u32 $0x3000, s12;
	s4 =	sshrl.u32 s4, $0x3;
	s6 =	ssub.s32 s6, s7  }
0x17: {  	[dreg:$0x3] =	wrdreg s0;
	s9 =	sadd.s32 s4, s1;
	s21 =	smax.u32 s6, $0x1  }
0x18: {  	s12 =	simm.s32 $0x11880;
	s15 =	sadd.s32 $0x4E00, s9;
	[dreg:$0x13] =	wrdreg s21  }
0x19: {  	s0 =	simm.s32 $0x10880;
	s17 =	sadd.s32 $0x2E00, s9;
	[dreg:$0x10] =	wrdreg s15  }
0x1a: {  	v3 =	vlaneseq.u32;
	s4 =	sadd.s32 $0x6E00, s1;
	s5 =	sadd.s32 $0xE00, s9;
	[dreg:$0x11] =	wrdreg s17  }
0x1b: {  	vm0 =	vmmov $0xffff;
	v1 =	vand.u32 $0x7, v3;
	v2 =	vshrl.u32 v3, $0x3;
	s1 =	simm.s32 $0x10080;
	s21 =	simm.s32 $0xB080;
	[dreg:$0x12] =	wrdreg s5  }
0x1c: {  	v3 =	vor.u32 $0x8, v3;
	v2 =	vmul.u32 $0x8, v2;
	v0 =	vmov s3;
	s15 =	simm.s32 $0x8080;
	s17 =	simm.s32 $0x9080;
	s5 =	simm.s32 $0x0  }
.LBB2_1:
0x1d: {  	[dreg:$0x14] =	wrdreg s5  }
0x1e: {  	s3 =	rddreg [dreg:$0x10]  }
0x1f: {  	[tilespmem:s2], [sflag:$0x2] =	stream.linear.gather [hbm4b:s3+s2], $0x800, $0x38;
	[tilespmem:$0x12080] =	vst v63  }
0x20: {  	_ =	swait.ge [sflag:s10], $0x800  }
0x21: {  	[sflag:s10] =	ssyncset.done $0x0  }
0x22: {  	s6 =	simm.s32 $0x800;
	s5 =	rddreg [dreg:$0x11];
	[sflag:s10] =	ssyncadd.s32 $0xFFFFF800  }
0x23: {  	[tilespmem:s6], [sflag:$0x2] =	stream.linear.gather [hbm4b:s5+s2], $0x800, $0x38;
	[tilespmem:$0x12080] =	vst v63  }
0x24: {  	_ =	swait.ge [sflag:s10], $0x800  }
0x25: {  	[sflag:s10] =	ssyncset.done $0x0  }
0x26: {  	s9 =	simm.s32 $0x1000;
	s7 =	rddreg [dreg:$0x12];
	[sflag:s10] =	ssyncadd.s32 $0xFFFFF800  }
0x27: {  	[tilespmem:s9], [sflag:$0x2] =	stream.linear.gather [hbm4b:s7+s2], $0x800, $0x38;
	[tilespmem:$0x12080] =	vst v63  }
0x28: {  	_ =	swait.ge [sflag:s10], $0x800  }
0x29: {  	[sflag:s10] =	ssyncset.done $0x0  }
0x2a: {  	s6 =	simm.s32 $0x1800;
	s5 =	rddreg [dreg:$0xf];
	[sflag:s10] =	ssyncadd.s32 $0xFFFFF800  }
0x2b: {  	[tilespmem:s6], [sflag:$0x2] =	stream.linear.gather [hbm4b:s5+s2], $0x80, $0x38;
	[tilespmem:$0x12080] =	vst v63  }
0x2c: {  	_ =	swait.ge [sflag:s10], $0x80  }
0x2d: {  	[sflag:s10] =	ssyncset.done $0x0  }
0x2e: {  	s7 =	simm.s32 $0x0;
	[sflag:s10] =	ssyncadd.s32 $0xFFFFFF80  }
0x2f: {  	v5 =	vld [tilespmem:s7+$0x0]  }
0x30: {  	v4 =	vld [tilespmem:$0x1800]  }
0x31: {  	v6 =	vld [tilespmem:s7+$0x800];
	_ =	sdelay $0x2  }
0x32: {  	v7 =	vld [tilespmem:s7+$0x1000];
	v5 =	vadd.f32 $5.000000000e-01, v5;
	_ =	sdelay $0x1  }
0x33: {  	v6 =	vadd.f32 $5.000000000e-01, v6;
	v5 =	vmul.f32 v5, v4  }
0x34: {  	v8 =	vtrunc.f32 v4  }
0x35: {  	v6 =	vmul.f32 v6, v4;
	v9 =	vtrunc.f32 v5  }
0x36: {  	v7 =	vadd.f32 $5.000000000e-01, v7;
	v5 =	vcvt.f32.s32 v8;
	v63 =	vcvt.f32.s32 v9  }
0x37: {  	v6 =	vtrunc.f32 v6  }
0x38: {  	v7 =	vmul.f32 v7, v4;
	v6 =	vcvt.f32.s32 v6;
	v8 =	vmul.u32 v5, v63;
	_ =	sdelay $0x1  }
0x39: {  	v7 =	vtrunc.f32 v7;
	v6 =	vadd.s32 v6, v8  }
0x3a: {  	v7 =	vcvt.f32.s32 v7;
	v6 =	vmul.u32 v5, v6;
	_ =	sdelay $0x1  }
0x3b: {  	v6 =	vadd.s32 v7, v6  }
0x3c: {  	vm1 =	vgt.s32 v6, $0x0  }
0x3d: {  	s9 =	sand.u32 $0x1E00, s2;
	v6 =	vnsel vm1, $0x0, v6  }
0x3e: {  	s6 =	sand.u32 $0x70, s2;
	s7 =	sshrl.u32 s9, $0x2;
	v6 =	vmin.u32 v6, $0xFFF  }
0x3f: {  	s5 =	simm.s32 $0x40;
	s6 =	sor.u32 s6, s7;
	v6 =	vor.u32 v0, v6  }
0x40: {  	s9 =	simm.s32 $0x10;
	s7 =	simm.s32 $0x80;
	[tilespmem:s6+$0x1880] =	vst v6;
	s6 =	simm.s32 $0x0  }
.LBB2_2:
0x41: {  	p0 =	sne.s32 s7, $0x1FC0;
	v6 =	vld [tilespmem:s9+$0x0];
	_ =	sdelay $0x1  }
0x42: {  	v7 =	vld [tilespmem:s9+$0x800];
	_ =	sdelay $0x2  }
0x43: {  	v6 =	vadd.f32 $5.000000000e-01, v6;
	v8 =	vld [tilespmem:s9+$0x1000];
	_ =	sdelay $0x1  }
0x44: {  	v6 =	vmul.f32 v6, v4;
	v7 =	vadd.f32 $5.000000000e-01, v7;
	_ =	sdelay $0x1  }
0x45: {  	v6 =	vtrunc.f32 v6;
	v7 =	vmul.f32 v7, v4  }
0x46: {  	v6 =	vcvt.f32.s32 v6;
	v8 =	vadd.f32 $5.000000000e-01, v8  }
0x47: {  	v7 =	vtrunc.f32 v7  }
0x48: {  	v7 =	vcvt.f32.s32 v7;
	v8 =	vmul.f32 v8, v4;
	v6 =	vmul.u32 v5, v6;
	_ =	sdelay $0x1  }
0x49: {  	v8 =	vtrunc.f32 v8;
	v6 =	vadd.s32 v7, v6  }
0x4a: {  	v7 =	vcvt.f32.s32 v8;
	v6 =	vmul.u32 v5, v6;
	_ =	sdelay $0x1  }
0x4b: {  	v6 =	vadd.s32 v7, v6  }
.Ltmp0:
0x4c: {  	vm1 =	vgt.s32 v6, $0x0;
	(pc) =	sbr.rel @p0 .LBB2_2-.Ltmp0, $4  }
0x4d: {  	s6 =	sadd.s32 $0x10, s6;
	s9 =	sand.u32 $0x1E00, s5;
	s5 =	smov.u32 s7;
	v6 =	vnsel vm1, $0x0, v6  }
0x4e: {  	s3 =	sand.u32 $0x70, s6;
	s9 =	sshrl.u32 s9, $0x2;
	v6 =	vmin.u32 v6, $0xFFF  }
0x4f: {  	s3 =	sor.u32 s3, s9;
	v6 =	vor.u32 v0, v6  }
0x50: {  	s7 =	sadd.s32 $0x40, s7;
	s9 =	sshra.s32 s5, $0x2;
	[tilespmem:s3+$0x1880] =	vst v6  }
0x51: {  	v6 =	vld [tilespmem:s9+$0x0];
	_ =	sdelay $0x1  }
0x52: {  	v7 =	vld [tilespmem:s9+$0x800];
	_ =	sdelay $0x2  }
0x53: {  	v8 =	vld [tilespmem:s9+$0x1000];
	v6 =	vadd.f32 $5.000000000e-01, v6;
	_ =	sdelay $0x1  }
0x54: {  	v7 =	vadd.f32 $5.000000000e-01, v7;
	v6 =	vmul.f32 v6, v4;
	_ =	sdelay $0x1  }
0x55: {  	v7 =	vmul.f32 v7, v4;
	v6 =	vtrunc.f32 v6  }
0x56: {  	v8 =	vadd.f32 $5.000000000e-01, v8;
	v6 =	vcvt.f32.s32 v6  }
0x57: {  	v7 =	vtrunc.f32 v7  }
0x58: {  	v4 =	vmul.f32 v8, v4;
	v7 =	vcvt.f32.s32 v7;
	v6 =	vmul.u32 v5, v6;
	_ =	sdelay $0x1  }
0x59: {  	v4 =	vtrunc.f32 v4;
	v6 =	vadd.s32 v7, v6  }
0x5a: {  	v4 =	vcvt.f32.s32 v4;
	v5 =	vmul.u32 v5, v6;
	_ =	sdelay $0x1  }
0x5b: {  	v4 =	vadd.s32 v4, v5  }
0x5c: {  	vm1 =	vgt.s32 v4, $0x0  }
0x5d: {  	s3 =	sand.u32 $0x1E00, s5;
	s9 =	sadd.s32 $0x10, s6;
	v4 =	vnsel vm1, $0x0, v4  }
0x5e: {  	s5 =	sand.u32 $0x70, s9;
	s3 =	sshrl.u32 s3, $0x2;
	v4 =	vmin.u32 v4, $0xFFF  }
0x5f: {  	s3 =	sor.u32 s5, s3;
	v4 =	vor.u32 v0, v4  }
0x60: {  	s6 =	simm.s32 $0x18C0;
	s5 =	simm.s32 $0x0;
	[tilespmem:s3+$0x1880] =	vst v4  }
.LBB2_4:
0x61: {  	v4 =	vld [tilespmem:s6+$0xFFFFFFC0];
	_ =	sdelay $0x4  }
0x62: {  	v5 =	vshll.u32 v4, $0x2  }
0x63: {  	v4 =	vand.u32 $0x7, v4;
	v5 =	vand.u32 $0xFFFFFFE0, v5  }
0x64: {  	v4 =	vor.u32 v4, v5  }
0x65: {  	v5 =	vperm.xlane v4, v1;
	_ =	sdelay $0x1  }
0x66: {  	v5 =	vadd.s32 v2, v5;
	_ =	sdelay $0x1  }
0x67: {  	v4 =	vperm.xlane v4, v3;
	_ =	sdelay $0x1  }
0x68: {  	v4 =	vadd.s32 v2, v4  }
0x69: {  	[tilespmem:s14], [sflag:$0x1] =	stream.indirect_vreg.gather [hbm4b:s4+s2], $0x80, v5, vm0, $0xb8;
	[tilespmem:$0x12080] =	vst v63  }
0x6a: {  	s3 =	rddreg [dreg:$0x4]  }
0x6b: {  	[tilespmem:s3], [sflag:$0x1] =	stream.indirect_vreg.gather [hbm4b:s8+s2], $0x80, v5, vm0, $0xb8;
	[tilespmem:$0x12080] =	vst v63  }
0x6c: {  	s7 =	rddreg [dreg:$0x5]  }
0x6d: {  	[tilespmem:s7], [sflag:$0x1] =	stream.indirect_vreg.gather [hbm4b:s4+s2], $0x80, v4, vm0, $0xb8;
	[tilespmem:$0x12080] =	vst v63  }
0x6e: {  	s9 =	rddreg [dreg:$0x6]  }
0x6f: {  	[tilespmem:s9], [sflag:$0x1] =	stream.indirect_vreg.gather [hbm4b:s8+s2], $0x80, v4, vm0, $0xb8;
	[tilespmem:$0x12080] =	vst v63  }
0x70: {  	v4 =	vld [tilespmem:s6+$0xFFFFFFD0];
	_ =	sdelay $0x4  }
0x71: {  	v5 =	vshll.u32 v4, $0x2  }
0x72: {  	v4 =	vand.u32 $0x7, v4;
	v5 =	vand.u32 $0xFFFFFFE0, v5  }
0x73: {  	v4 =	vor.u32 v4, v5  }
0x74: {  	v5 =	vperm.xlane v4, v1;
	_ =	sdelay $0x1  }
0x75: {  	v5 =	vadd.s32 v2, v5;
	_ =	sdelay $0x1  }
0x76: {  	v4 =	vperm.xlane v4, v3;
	_ =	sdelay $0x1  }
0x77: {  	s7 =	rddreg [dreg:$0x7];
	v4 =	vadd.s32 v2, v4  }
0x78: {  	[tilespmem:s7], [sflag:$0x1] =	stream.indirect_vreg.gather [hbm4b:s4+s2], $0x80, v5, vm0, $0xb8;
	[tilespmem:$0x12080] =	vst v63  }
0x79: {  	s9 =	rddreg [dreg:$0x8]  }
0x7a: {  	[tilespmem:s9], [sflag:$0x1] =	stream.indirect_vreg.gather [hbm4b:s8+s2], $0x80, v5, vm0, $0xb8;
	[tilespmem:$0x12080] =	vst v63  }
0x7b: {  	s3 =	rddreg [dreg:$0x9]  }
0x7c: {  	[tilespmem:s3], [sflag:$0x1] =	stream.indirect_vreg.gather [hbm4b:s4+s2], $0x80, v4, vm0, $0xb8;
	[tilespmem:$0x12080] =	vst v63  }
0x7d: {  	s9 =	rddreg [dreg:$0xa]  }
0x7e: {  	[tilespmem:s9], [sflag:$0x1] =	stream.indirect_vreg.gather [hbm4b:s8+s2], $0x80, v4, vm0, $0xb8;
	[tilespmem:$0x12080] =	vst v63  }
0x7f: {  	v4 =	vld [tilespmem:s6+$0xFFFFFFE0];
	_ =	sdelay $0x4  }
0x80: {  	v5 =	vshll.u32 v4, $0x2  }
0x81: {  	v4 =	vand.u32 $0x7, v4;
	v5 =	vand.u32 $0xFFFFFFE0, v5  }
0x82: {  	v4 =	vor.u32 v4, v5  }
0x83: {  	v5 =	vperm.xlane v4, v1;
	_ =	sdelay $0x1  }
0x84: {  	v5 =	vadd.s32 v2, v5;
	_ =	sdelay $0x1  }
0x85: {  	v4 =	vperm.xlane v4, v3;
	_ =	sdelay $0x1  }
0x86: {  	s7 =	rddreg [dreg:$0xb];
	v4 =	vadd.s32 v2, v4  }
0x87: {  	[tilespmem:s7], [sflag:$0x1] =	stream.indirect_vreg.gather [hbm4b:s4+s2], $0x80, v5, vm0, $0xb8;
	[tilespmem:$0x12080] =	vst v63  }
0x88: {  	s9 =	rddreg [dreg:$0xc]  }
0x89: {  	[tilespmem:s9], [sflag:$0x1] =	stream.indirect_vreg.gather [hbm4b:s8+s2], $0x80, v5, vm0, $0xb8;
	[tilespmem:$0x12080] =	vst v63  }
0x8a: {  	s3 =	rddreg [dreg:$0xd]  }
0x8b: {  	[tilespmem:s3], [sflag:$0x1] =	stream.indirect_vreg.gather [hbm4b:s4+s2], $0x80, v4, vm0, $0xb8;
	[tilespmem:$0x12080] =	vst v63  }
0x8c: {  	s9 =	rddreg [dreg:$0xe]  }
0x8d: {  	[tilespmem:s9], [sflag:$0x1] =	stream.indirect_vreg.gather [hbm4b:s8+s2], $0x80, v4, vm0, $0xb8;
	[tilespmem:$0x12080] =	vst v63  }
0x8e: {  	v4 =	vld [tilespmem:s6+$0xFFFFFFF0];
	_ =	sdelay $0x4  }
0x8f: {  	v5 =	vshll.u32 v4, $0x2  }
0x90: {  	v4 =	vand.u32 $0x7, v4;
	v5 =	vand.u32 $0xFFFFFFE0, v5  }
0x91: {  	v4 =	vor.u32 v4, v5  }
0x92: {  	v5 =	vperm.xlane v4, v1;
	_ =	sdelay $0x1  }
0x93: {  	v5 =	vadd.s32 v2, v5;
	_ =	sdelay $0x1  }
0x94: {  	v4 =	vperm.xlane v4, v3;
	_ =	sdelay $0x1  }
0x95: {  	v4 =	vadd.s32 v2, v4  }
0x96: {  	[tilespmem:s15], [sflag:$0x1] =	stream.indirect_vreg.gather [hbm4b:s4+s2], $0x80, v5, vm0, $0xb8;
	[tilespmem:$0x12080] =	vst v63  }
0x97: {  	_ = 	snop  }
0x98: {  	[tilespmem:s16], [sflag:$0x1] =	stream.indirect_vreg.gather [hbm4b:s8+s2], $0x80, v5, vm0, $0xb8;
	[tilespmem:$0x12080] =	vst v63  }
0x99: {  	_ = 	snop  }
0x9a: {  	[tilespmem:s17], [sflag:$0x1] =	stream.indirect_vreg.gather [hbm4b:s4+s2], $0x80, v4, vm0, $0xb8;
	[tilespmem:$0x12080] =	vst v63  }
0x9b: {  	_ = 	snop  }
0x9c: {  	[tilespmem:s18], [sflag:$0x1] =	stream.indirect_vreg.gather [hbm4b:s8+s2], $0x80, v4, vm0, $0xb8;
	[tilespmem:$0x12080] =	vst v63  }
0x9d: {  	v4 =	vld [tilespmem:s6+$0x0];
	_ =	sdelay $0x4  }
0x9e: {  	v5 =	vshll.u32 v4, $0x2  }
0x9f: {  	v4 =	vand.u32 $0x7, v4;
	v5 =	vand.u32 $0xFFFFFFE0, v5  }
0xa0: {  	v4 =	vor.u32 v4, v5  }
0xa1: {  	v5 =	vperm.xlane v4, v1;
	_ =	sdelay $0x1  }
0xa2: {  	v5 =	vadd.s32 v2, v5;
	_ =	sdelay $0x1  }
0xa3: {  	v4 =	vperm.xlane v4, v3;
	_ =	sdelay $0x1  }
0xa4: {  	v4 =	vadd.s32 v2, v4  }
0xa5: {  	[tilespmem:s19], [sflag:$0x1] =	stream.indirect_vreg.gather [hbm4b:s4+s2], $0x80, v5, vm0, $0xb8;
	[tilespmem:$0x12080] =	vst v63  }
0xa6: {  	_ = 	snop  }
0xa7: {  	[tilespmem:s20], [sflag:$0x1] =	stream.indirect_vreg.gather [hbm4b:s8+s2], $0x80, v5, vm0, $0xb8;
	[tilespmem:$0x12080] =	vst v63  }
0xa8: {  	_ = 	snop  }
0xa9: {  	[tilespmem:s21], [sflag:$0x1] =	stream.indirect_vreg.gather [hbm4b:s4+s2], $0x80, v4, vm0, $0xb8;
	[tilespmem:$0x12080] =	vst v63  }
0xaa: {  	_ = 	snop  }
0xab: {  	[tilespmem:s22], [sflag:$0x1] =	stream.indirect_vreg.gather [hbm4b:s8+s2], $0x80, v4, vm0, $0xb8;
	[tilespmem:$0x12080] =	vst v63  }
0xac: {  	v4 =	vld [tilespmem:s6+$0x10];
	_ =	sdelay $0x4  }
0xad: {  	v5 =	vshll.u32 v4, $0x2  }
0xae: {  	v4 =	vand.u32 $0x7, v4;
	v5 =	vand.u32 $0xFFFFFFE0, v5  }
0xaf: {  	v4 =	vor.u32 v4, v5  }
0xb0: {  	v5 =	vperm.xlane v4, v1;
	_ =	sdelay $0x1  }
0xb1: {  	v5 =	vadd.s32 v2, v5;
	_ =	sdelay $0x1  }
0xb2: {  	v4 =	vperm.xlane v4, v3;
	_ =	sdelay $0x1  }
0xb3: {  	v4 =	vadd.s32 v2, v4  }
0xb4: {  	[tilespmem:s23], [sflag:$0x1] =	stream.indirect_vreg.gather [hbm4b:s4+s2], $0x80, v5, vm0, $0xb8;
	[tilespmem:$0x12080] =	vst v63  }
0xb5: {  	_ = 	snop  }
0xb6: {  	[tilespmem:s24], [sflag:$0x1] =	stream.indirect_vreg.gather [hbm4b:s8+s2], $0x80, v5, vm0, $0xb8;
	[tilespmem:$0x12080] =	vst v63  }
0xb7: {  	_ = 	snop  }
0xb8: {  	[tilespmem:s25], [sflag:$0x1] =	stream.indirect_vreg.gather [hbm4b:s4+s2], $0x80, v4, vm0, $0xb8;
	[tilespmem:$0x12080] =	vst v63  }
0xb9: {  	_ = 	snop  }
0xba: {  	[tilespmem:s26], [sflag:$0x1] =	stream.indirect_vreg.gather [hbm4b:s8+s2], $0x80, v4, vm0, $0xb8;
	[tilespmem:$0x12080] =	vst v63  }
0xbb: {  	v4 =	vld [tilespmem:s6+$0x20];
	_ =	sdelay $0x4  }
0xbc: {  	v5 =	vshll.u32 v4, $0x2  }
0xbd: {  	v4 =	vand.u32 $0x7, v4;
	v5 =	vand.u32 $0xFFFFFFE0, v5  }
0xbe: {  	v4 =	vor.u32 v4, v5  }
0xbf: {  	v5 =	vperm.xlane v4, v1;
	_ =	sdelay $0x1  }
0xc0: {  	v5 =	vadd.s32 v2, v5;
	_ =	sdelay $0x1  }
0xc1: {  	v4 =	vperm.xlane v4, v3;
	_ =	sdelay $0x1  }
0xc2: {  	v4 =	vadd.s32 v2, v4  }
0xc3: {  	[tilespmem:s28], [sflag:$0x1] =	stream.indirect_vreg.gather [hbm4b:s4+s2], $0x80, v5, vm0, $0xb8;
	[tilespmem:$0x12080] =	vst v63  }
0xc4: {  	_ = 	snop  }
0xc5: {  	[tilespmem:s29], [sflag:$0x1] =	stream.indirect_vreg.gather [hbm4b:s8+s2], $0x80, v5, vm0, $0xb8;
	[tilespmem:$0x12080] =	vst v63  }
0xc6: {  	_ = 	snop  }
0xc7: {  	[tilespmem:s30], [sflag:$0x1] =	stream.indirect_vreg.gather [hbm4b:s4+s2], $0x80, v4, vm0, $0xb8;
	[tilespmem:$0x12080] =	vst v63  }
0xc8: {  	_ = 	snop  }
0xc9: {  	[tilespmem:s31], [sflag:$0x1] =	stream.indirect_vreg.gather [hbm4b:s8+s2], $0x80, v4, vm0, $0xb8;
	[tilespmem:$0x12080] =	vst v63  }
0xca: {  	v4 =	vld [tilespmem:s6+$0x30];
	_ =	sdelay $0x4  }
0xcb: {  	v5 =	vshll.u32 v4, $0x2  }
0xcc: {  	v4 =	vand.u32 $0x7, v4;
	v5 =	vand.u32 $0xFFFFFFE0, v5  }
0xcd: {  	v4 =	vor.u32 v4, v5  }
0xce: {  	v5 =	vperm.xlane v4, v1;
	_ =	sdelay $0x1  }
0xcf: {  	v5 =	vadd.s32 v2, v5;
	_ =	sdelay $0x1  }
0xd0: {  	v4 =	vperm.xlane v4, v3;
	_ =	sdelay $0x1  }
0xd1: {  	v4 =	vadd.s32 v2, v4  }
0xd2: {  	[tilespmem:s1], [sflag:$0x1] =	stream.indirect_vreg.gather [hbm4b:s4+s2], $0x80, v5, vm0, $0xb8;
	[tilespmem:$0x12080] =	vst v63  }
0xd3: {  	_ = 	snop  }
0xd4: {  	[tilespmem:s0], [sflag:$0x1] =	stream.indirect_vreg.gather [hbm4b:s8+s2], $0x80, v5, vm0, $0xb8;
	[tilespmem:$0x12080] =	vst v63  }
0xd5: {  	_ = 	snop  }
0xd6: {  	[tilespmem:s11], [sflag:$0x1] =	stream.indirect_vreg.gather [hbm4b:s4+s2], $0x80, v4, vm0, $0xb8;
	[tilespmem:$0x12080] =	vst v63  }
0xd7: {  	_ = 	snop  }
0xd8: {  	[tilespmem:s12], [sflag:$0x1] =	stream.indirect_vreg.gather [hbm4b:s8+s2], $0x80, v4, vm0, $0xb8;
	[tilespmem:$0x12080] =	vst v63  }
0xd9: {  	_ =	swait.ge [sflag:s13], $0x10000  }
0xda: {  	p0 =	sne.s32 s5, $0x1E000;
	s9 =	rddreg [dreg:$0x3];
	[sflag:s13] =	ssyncset.done $0x0  }
.Ltmp1:
0xdb: {  	[sflag:s13] =	ssyncadd.s32 $0xFFFF0000;
	s3 =	sadd.s32 s5, s9;
	(pc) =	sbr.rel @p0 .LBB2_4-.Ltmp1, $4  }
0xdc: {  	[hbm4b:s3+s2] =	stream.linear.scatter [tilespmem:s14], [sflag:$0x2], $0x10000, $0x38;
	[tilespmem:$0x12080] =	vst v63  }
0xdd: {  	_ =	swait.ge [sflag:s10], $0x10000  }
0xde: {  	[sflag:s10] =	ssyncset.done $0x0  }
0xdf: {  	s6 =	sadd.s32 $0x80, s6;
	s5 =	sadd.s32 $0x2000, s5;
	[sflag:s10] =	ssyncadd.s32 $0xFFFF0000  }
0xe0: {  	s5 =	rddreg [dreg:$0x14]  }
0xe1: {  	s3 =	rddreg [dreg:$0x13];
	s5 =	sadd.s32 $0x1, s5  }
0xe2: {  	p0 =	sne.s32 s5, s3  }
.Ltmp2:
0xe3: {  	_ = 	snop;
	(pc) =	sbr.rel @p0 .LBB2_1-.Ltmp2, $1  }
0xe4: {  	_ =	sdelay $0x3  }
0xe5: {  	_ =	sfence.sel $0x180000  }
0xe6: {  	[bflag:$0x0] =	sbarrier.arrive $0xFFFF  }
0xe7: {  	_ =	strace $0x90000047  }
0xe8: {  	s0 =	stileid.u32;
	[bflag:$0x2] =	sbarrier.arrive $0xFFFF  }
0xe9: {  	p0 =	sne.s32 s0, $0x0;
	s0 =	rddreg [dreg:$0x2]  }
0xea: {  	s0 =	sadd.s32 @!p0 $0x100000, s0  }
0xeb: {  	[sflag:s0] =	ssyncadd.tile.s32 @!p0 $0x1;
	_ =	shalt  }
.Lfunc_end2:
_tile_overlayer_lowered:
.L_overlay_start_2:
0xec: {  	(tag) =	ssettag $0x2  }
0xed: {  	s0 =	rddreg [dreg:$0x0];
	s2 =	stileid.u32  }
0xee: {  	s1 =	rddreg [dreg:$0x1];
	p0 =	sne.s32 s2, $0x0  }
0xef: {  	s3 =	rddreg [dreg:$0x2];
	[bflag:$0x3] =	sbarrier.arrive $0xFFFF;
	s2 =	simm.s32 @!p0 $0x1C02  }
0xf0: {  	[timem:s3], [sflag:s2] =	dma.local @!p0 [hbm:s0], s1  }
0xf1: {  	s0 =	simm.s32 @!p0 $0x2  }
0xf2: {  	_ =	swait.ge @!p0 [sflag:s0], s1  }
0xf3: {  	s1 =	ssub.s32 @!p0 $0x0, s1;
	[sflag:s0] =	ssyncset.done @!p0 $0x0  }
0xf4: {  	[sflag:s0] =	ssyncadd.s32 @!p0 s1  }
0xf5: {  	[bflag:$0x3] =	sbarrier.arrive $0xFFFF  }
0xf6: {  	_ =	shalt  }

</sc_bundles>
